<compile_context>
chip_gen: v7x
topology: tpu7x:2x2x1
jax: 0.10.2.dev20260603
libtpu: 0.0.44.dev20260713+nightly
codegen_flags: <defaults>
</compile_context>

<pallas_src>
import functools

import jax
import jax.numpy as jnp
from jax import lax
from jax.experimental import pallas as pl
from jax.experimental.pallas import tpu as pltpu
from jax.experimental.pallas import tpu_sc as plsc

_CHUNK = 8


def _sc_kernel(x_hbm, t_hbm, o_hbm, xv, tv, nw):
    info = plsc.get_sparse_core_info()
    nc = info.num_cores
    seq_len, batch, d = x_hbm.shape
    rows_per_w = seq_len // nw
    nchunks = rows_per_w // _CHUNK
    lanegroups = d // 16

    wid = lax.axis_index("s") * nc + lax.axis_index("c")
    w_base = wid * rows_per_w

    def chunk_body(c, carry):
        base = w_base + c * _CHUNK
        pltpu.sync_copy(x_hbm.at[pl.ds(base, _CHUNK)], xv)
        pltpu.sync_copy(t_hbm.at[pl.ds(base, _CHUNK)], tv)

        def add_body(j, carry2):
            r = j >> 6
            k = (j & (lanegroups - 1)) * 16
            tvec = tv[r, pl.ds(k, 16)]
            for b in range(batch):
                xv[r, b, pl.ds(k, 16)] = xv[r, b, pl.ds(k, 16)] + tvec
            return carry2

        lax.fori_loop(0, _CHUNK * lanegroups, add_body, 0)
        pltpu.sync_copy(xv, o_hbm.at[pl.ds(base, _CHUNK)])
        return carry

    lax.fori_loop(0, nchunks, chunk_body, 0)


def kernel(x, table):
    seq_len, batch, d = x.shape
    info = plsc.get_sparse_core_info()
    nw = info.num_cores * info.num_subcores
    mesh = plsc.VectorSubcoreMesh(core_axis_name="c", subcore_axis_name="s")
    k = functools.partial(
        pl.kernel,
        mesh=mesh,
        out_type=jax.ShapeDtypeStruct((seq_len, batch, d), x.dtype),
        scratch_types=[
            pltpu.VMEM((_CHUNK, batch, d), x.dtype),
            pltpu.VMEM((_CHUNK, d), table.dtype),
        ],
    )(functools.partial(_sc_kernel, nw=nw))
    return k(x, table)

# --- scband reference (transcript-rebuilt; emitter-appended) ---
"""Pipeline reference for scband-positional-embedding-59193239274156 (READ-ONLY COPY).

The authoritative reference and input builder live on the scoring server;
editing this copy changes nothing except your own understanding.
"""

import jax, jax.numpy as jnp
import numpy as np

D_MODEL = 1024
MAX_LEN = 8192
SEQ_LEN = 4096
BATCH = 4

def setup_inputs(seed: int = 0) -> dict:
    key = jax.random.key(seed)
    k1, k2 = jax.random.split(key)
    x = jax.random.normal(k1, (SEQ_LEN, BATCH, D_MODEL), dtype=jnp.float32)
    # embedding table: nn.Embedding(max_len, d_model) init normal(0, 0.02)
    table = 0.02 * jax.random.normal(k2, (MAX_LEN, D_MODEL), dtype=jnp.float32)
    return {"x": x, "table": table}

def reference(x, table):
    seq_len = x.shape[0]
    d_forwards = table.shape[1]
    # indices tensor of shape [seq_len, 1]
    idx = jnp.arange(seq_len, dtype=jnp.int32)[:, None]
    y = jnp.take(table, idx, axis=0)  # [seq_len, 1, d_forwards]
    # x[:, :, :d_forwards] += y  (broadcast over batch dim)
    x = x.at[:, :, :d_forwards].add(y)
    # dropout p=0.0 -> identity
    return x

if __name__ == "__main__":
    import jax
    _d = setup_inputs()
    print(jax.jit(kernel)(*tuple(_d.values())))

</pallas_src>

<mosaic_0001>
#map = affine_map<(d0, d1) -> (0, 0, 0)>
#map1 = affine_map<(d0, d1) -> (0, 0)>
module attributes {stable_mosaic.version = 14 : i64} {
  func.func @_sc_kernel(%arg0: i32, %arg1: i32, %arg2: memref<4096x4x1024xf32, #tpu.memory_space<hbm>>, %arg3: memref<8192x1024xf32, #tpu.memory_space<hbm>>, %arg4: memref<4096x4x1024xf32, #tpu.memory_space<hbm>>, %arg5: memref<8x4x1024xf32, #tpu.memory_space<vmem>>, %arg6: memref<8x1024xf32, #tpu.memory_space<vmem>>) attributes {dimension_semantics = [#tpu.dimension_semantics<core_parallel>, #tpu.dimension_semantics<subcore_parallel>], iteration_bounds = array<i64: 2, 16>, scalar_prefetch = 0 : i64, scratch_operands = 2 : i64, tpu.core_type = #tpu.core_type<sc_vector_subcore>, window_params = [{transform_indices = #map}, {transform_indices = #map1}, {transform_indices = #map}]} {
    %mul3A = arith.constant 2 : i32
    %mul3A_0 = arith.muli %arg1, %mul3A : i32
    %add3A = arith.addi %mul3A_0, %arg0 : i32
    %mul3A_1 = arith.constant 128 : i32
    %mul3A_2 = arith.muli %add3A, %mul3A_1 : i32
    %scan3A = arith.constant 0 : i32
    %scan3A_3 = arith.constant 0 : i32
    %scan3A_4 = arith.constant 16 : i32
    %scan3A_5 = arith.addi %scan3A_3, %scan3A_4 : i32
    %scan3A_6 = arith.constant 1 : i32
    scf.for %scan3A_8 = %scan3A_3 to %scan3A_5 step %scan3A_6  : i32 {
      %mul3A_9 = arith.constant 8 : i32
      %mul3A_10 = arith.muli %scan3A_8, %mul3A_9 : i32
      %add3A_11 = arith.addi %mul3A_2, %mul3A_10 : i32
      "tpu.region"() ({
        %run_scoped3A = tpu.sem_alloc : memref<!tpu.dma_semaphore, #tpu.memory_space<semaphore_mem>>
        %dma_start3A = arith.constant 0 : i32
        %dma_start3A_18 = arith.constant 0 : i32
        %dma_start3A_19 = tpu.memref_slice %arg2[%add3A_11, %dma_start3A, %dma_start3A_18] : memref<4096x4x1024xf32, #tpu.memory_space<hbm>> -> memref<8x4x1024xf32, #tpu.memory_space<hbm>>
        %dma_start3A_20 = arith.constant 0 : i32
        %dma_start3A_21 = arith.constant 0 : i32
        %dma_start3A_22 = tpu.memref_slice %arg2[%add3A_11, %dma_start3A_20, %dma_start3A_21] : memref<4096x4x1024xf32, #tpu.memory_space<hbm>> -> memref<8x4x1024xf32, #tpu.memory_space<hbm>>
        tpu.enqueue_dma source(%dma_start3A_22 : memref<8x4x1024xf32, #tpu.memory_space<hbm>>) target(%arg5 : memref<8x4x1024xf32, #tpu.memory_space<vmem>>) target_semaphore(%run_scoped3A : memref<!tpu.dma_semaphore, #tpu.memory_space<semaphore_mem>>)
        %dma_wait3A = arith.constant 0 : i32
        %dma_wait3A_23 = arith.constant 0 : i32
        %dma_wait3A_24 = tpu.memref_slice %arg2[%add3A_11, %dma_wait3A, %dma_wait3A_23] : memref<4096x4x1024xf32, #tpu.memory_space<hbm>> -> memref<8x4x1024xf32, #tpu.memory_space<hbm>>
        %dma_wait3A_25 = arith.constant 0 : i32
        %dma_wait3A_26 = arith.constant 0 : i32
        %dma_wait3A_27 = tpu.memref_slice %arg2[%add3A_11, %dma_wait3A_25, %dma_wait3A_26] : memref<4096x4x1024xf32, #tpu.memory_space<hbm>> -> memref<8x4x1024xf32, #tpu.memory_space<hbm>>
        tpu.wait_dma2 semaphore(%run_scoped3A : memref<!tpu.dma_semaphore, #tpu.memory_space<semaphore_mem>>) src(%dma_wait3A_27 : memref<8x4x1024xf32, #tpu.memory_space<hbm>>) dst(%arg5 : memref<8x4x1024xf32, #tpu.memory_space<vmem>>)
        tpu.yield
      }) : () -> ()
      "tpu.region"() ({
        %run_scoped3A = tpu.sem_alloc : memref<!tpu.dma_semaphore, #tpu.memory_space<semaphore_mem>>
        %dma_start3A = arith.constant 0 : i32
        %dma_start3A_18 = tpu.memref_slice %arg3[%add3A_11, %dma_start3A] : memref<8192x1024xf32, #tpu.memory_space<hbm>> -> memref<8x1024xf32, #tpu.memory_space<hbm>>
        %dma_start3A_19 = arith.constant 0 : i32
        %dma_start3A_20 = tpu.memref_slice %arg3[%add3A_11, %dma_start3A_19] : memref<8192x1024xf32, #tpu.memory_space<hbm>> -> memref<8x1024xf32, #tpu.memory_space<hbm>>
        tpu.enqueue_dma source(%dma_start3A_20 : memref<8x1024xf32, #tpu.memory_space<hbm>>) target(%arg6 : memref<8x1024xf32, #tpu.memory_space<vmem>>) target_semaphore(%run_scoped3A : memref<!tpu.dma_semaphore, #tpu.memory_space<semaphore_mem>>)
        %dma_wait3A = arith.constant 0 : i32
        %dma_wait3A_21 = tpu.memref_slice %arg3[%add3A_11, %dma_wait3A] : memref<8192x1024xf32, #tpu.memory_space<hbm>> -> memref<8x1024xf32, #tpu.memory_space<hbm>>
        %dma_wait3A_22 = arith.constant 0 : i32
        %dma_wait3A_23 = tpu.memref_slice %arg3[%add3A_11, %dma_wait3A_22] : memref<8192x1024xf32, #tpu.memory_space<hbm>> -> memref<8x1024xf32, #tpu.memory_space<hbm>>
        tpu.wait_dma2 semaphore(%run_scoped3A : memref<!tpu.dma_semaphore, #tpu.memory_space<semaphore_mem>>) src(%dma_wait3A_23 : memref<8x1024xf32, #tpu.memory_space<hbm>>) dst(%arg6 : memref<8x1024xf32, #tpu.memory_space<vmem>>)
        tpu.yield
      }) : () -> ()
      %scan3A_12 = arith.constant 0 : i32
      %scan3A_13 = arith.constant 0 : i32
      %scan3A_14 = arith.constant 512 : i32
      %scan3A_15 = arith.addi %scan3A_13, %scan3A_14 : i32
      %scan3A_16 = arith.constant 1 : i32
      scf.for %scan3A_18 = %scan3A_13 to %scan3A_15 step %scan3A_16  : i32 {
        %shift_right_arithmetic3A = arith.constant 6 : i32
        %shift_right_arithmetic3A_19 = arith.shrsi %scan3A_18, %shift_right_arithmetic3A : i32
        %and3A = arith.constant 63 : i32
        %and3A_20 = arith.andi %scan3A_18, %and3A : i32
        %mul3A_21 = arith.constant 16 : i32
        %mul3A_22 = arith.muli %and3A_20, %mul3A_21 : i32
        %get3A = arith.index_cast %shift_right_arithmetic3A_19 : i32 to index
        %get3A_23 = arith.index_cast %mul3A_22 : i32 to index
        %get3A_24 = tpu.vector_load %arg6[%get3A, %get3A_23] {strides = array<i32>} : memref<8x1024xf32, #tpu.memory_space<vmem>>, vector<1x16xf32>,
        %get3A_25 = vector.shape_cast %get3A_24 : vector<1x16xf32> to vector<16xf32>
        %get3A_26 = arith.constant 0 : i32
        %get3A_27 = arith.index_cast %shift_right_arithmetic3A_19 : i32 to index
        %get3A_28 = arith.index_cast %get3A_26 : i32 to index
        %get3A_29 = arith.index_cast %mul3A_22 : i32 to index
        %get3A_30 = tpu.vector_load %arg5[%get3A_27, %get3A_28, %get3A_29] {strides = array<i32>} : memref<8x4x1024xf32, #tpu.memory_space<vmem>>, vector<1x1x16xf32>,
        %get3A_31 = vector.shape_cast %get3A_30 : vector<1x1x16xf32> to vector<16xf32>
        %add3A_32 = arith.addf %get3A_31, %get3A_25 : vector<16xf32>
        %swap3A = arith.constant 0 : i32
        %swap3A_33 = arith.index_cast %shift_right_arithmetic3A_19 : i32 to index
        %swap3A_34 = arith.index_cast %swap3A : i32 to index
        %swap3A_35 = arith.index_cast %mul3A_22 : i32 to index
        %swap3A_36 = tpu.vector_load %arg5[%swap3A_33, %swap3A_34, %swap3A_35] {strides = array<i32>} : memref<8x4x1024xf32, #tpu.memory_space<vmem>>, vector<1x1x16xf32>,
        %swap3A_37 = vector.shape_cast %swap3A_36 : vector<1x1x16xf32> to vector<16xf32>
        %swap3A_38 = vector.shape_cast %add3A_32 : vector<16xf32> to vector<1x1x16xf32>
        tpu.vector_store %arg5[%swap3A_33, %swap3A_34, %swap3A_35], %swap3A_38 {strides = array<i32>} : memref<8x4x1024xf32, #tpu.memory_space<vmem>>, vector<1x1x16xf32>,
        %get3A_39 = arith.constant 1 : i32
        %get3A_40 = arith.index_cast %shift_right_arithmetic3A_19 : i32 to index
        %get3A_41 = arith.index_cast %get3A_39 : i32 to index
        %get3A_42 = arith.index_cast %mul3A_22 : i32 to index
        %get3A_43 = tpu.vector_load %arg5[%get3A_40, %get3A_41, %get3A_42] {strides = array<i32>} : memref<8x4x1024xf32, #tpu.memory_space<vmem>>, vector<1x1x16xf32>,
        %get3A_44 = vector.shape_cast %get3A_43 : vector<1x1x16xf32> to vector<16xf32>
        %add3A_45 = arith.addf %get3A_44, %get3A_25 : vector<16xf32>
        %swap3A_46 = arith.constant 1 : i32
        %swap3A_47 = arith.index_cast %shift_right_arithmetic3A_19 : i32 to index
        %swap3A_48 = arith.index_cast %swap3A_46 : i32 to index
        %swap3A_49 = arith.index_cast %mul3A_22 : i32 to index
        %swap3A_50 = tpu.vector_load %arg5[%swap3A_47, %swap3A_48, %swap3A_49] {strides = array<i32>} : memref<8x4x1024xf32, #tpu.memory_space<vmem>>, vector<1x1x16xf32>,
        %swap3A_51 = vector.shape_cast %swap3A_50 : vector<1x1x16xf32> to vector<16xf32>
        %swap3A_52 = vector.shape_cast %add3A_45 : vector<16xf32> to vector<1x1x16xf32>
        tpu.vector_store %arg5[%swap3A_47, %swap3A_48, %swap3A_49], %swap3A_52 {strides = array<i32>} : memref<8x4x1024xf32, #tpu.memory_space<vmem>>, vector<1x1x16xf32>,
        %get3A_53 = arith.constant 2 : i32
        %get3A_54 = arith.index_cast %shift_right_arithmetic3A_19 : i32 to index
        %get3A_55 = arith.index_cast %get3A_53 : i32 to index
        %get3A_56 = arith.index_cast %mul3A_22 : i32 to index
        %get3A_57 = tpu.vector_load %arg5[%get3A_54, %get3A_55, %get3A_56] {strides = array<i32>} : memref<8x4x1024xf32, #tpu.memory_space<vmem>>, vector<1x1x16xf32>,
        %get3A_58 = vector.shape_cast %get3A_57 : vector<1x1x16xf32> to vector<16xf32>
        %add3A_59 = arith.addf %get3A_58, %get3A_25 : vector<16xf32>
        %swap3A_60 = arith.constant 2 : i32
        %swap3A_61 = arith.index_cast %shift_right_arithmetic3A_19 : i32 to index
        %swap3A_62 = arith.index_cast %swap3A_60 : i32 to index
        %swap3A_63 = arith.index_cast %mul3A_22 : i32 to index
        %swap3A_64 = tpu.vector_load %arg5[%swap3A_61, %swap3A_62, %swap3A_63] {strides = array<i32>} : memref<8x4x1024xf32, #tpu.memory_space<vmem>>, vector<1x1x16xf32>,
        %swap3A_65 = vector.shape_cast %swap3A_64 : vector<1x1x16xf32> to vector<16xf32>
        %swap3A_66 = vector.shape_cast %add3A_59 : vector<16xf32> to vector<1x1x16xf32>
        tpu.vector_store %arg5[%swap3A_61, %swap3A_62, %swap3A_63], %swap3A_66 {strides = array<i32>} : memref<8x4x1024xf32, #tpu.memory_space<vmem>>, vector<1x1x16xf32>,
        %get3A_67 = arith.constant 3 : i32
        %get3A_68 = arith.index_cast %shift_right_arithmetic3A_19 : i32 to index
        %get3A_69 = arith.index_cast %get3A_67 : i32 to index
        %get3A_70 = arith.index_cast %mul3A_22 : i32 to index
        %get3A_71 = tpu.vector_load %arg5[%get3A_68, %get3A_69, %get3A_70] {strides = array<i32>} : memref<8x4x1024xf32, #tpu.memory_space<vmem>>, vector<1x1x16xf32>,
        %get3A_72 = vector.shape_cast %get3A_71 : vector<1x1x16xf32> to vector<16xf32>
        %add3A_73 = arith.addf %get3A_72, %get3A_25 : vector<16xf32>
        %swap3A_74 = arith.constant 3 : i32
        %swap3A_75 = arith.index_cast %shift_right_arithmetic3A_19 : i32 to index
        %swap3A_76 = arith.index_cast %swap3A_74 : i32 to index
        %swap3A_77 = arith.index_cast %mul3A_22 : i32 to index
        %swap3A_78 = tpu.vector_load %arg5[%swap3A_75, %swap3A_76, %swap3A_77] {strides = array<i32>} : memref<8x4x1024xf32, #tpu.memory_space<vmem>>, vector<1x1x16xf32>,
        %swap3A_79 = vector.shape_cast %swap3A_78 : vector<1x1x16xf32> to vector<16xf32>
        %swap3A_80 = vector.shape_cast %add3A_73 : vector<16xf32> to vector<1x1x16xf32>
        tpu.vector_store %arg5[%swap3A_75, %swap3A_76, %swap3A_77], %swap3A_80 {strides = array<i32>} : memref<8x4x1024xf32, #tpu.memory_space<vmem>>, vector<1x1x16xf32>,
      }
      %scan3A_17 = arith.constant 512 : i32
      "tpu.region"() ({
        %run_scoped3A = tpu.sem_alloc : memref<!tpu.dma_semaphore, #tpu.memory_space<semaphore_mem>>
        %dma_start3A = arith.constant 0 : i32
        %dma_start3A_18 = arith.constant 0 : i32
        %dma_start3A_19 = tpu.memref_slice %arg4[%add3A_11, %dma_start3A, %dma_start3A_18] : memref<4096x4x1024xf32, #tpu.memory_space<hbm>> -> memref<8x4x1024xf32, #tpu.memory_space<hbm>>
        %dma_start3A_20 = arith.constant 0 : i32
        %dma_start3A_21 = arith.constant 0 : i32
        %dma_start3A_22 = tpu.memref_slice %arg4[%add3A_11, %dma_start3A_20, %dma_start3A_21] : memref<4096x4x1024xf32, #tpu.memory_space<hbm>> -> memref<8x4x1024xf32, #tpu.memory_space<hbm>>
        tpu.enqueue_dma source(%arg5 : memref<8x4x1024xf32, #tpu.memory_space<vmem>>) target(%dma_start3A_22 : memref<8x4x1024xf32, #tpu.memory_space<hbm>>) target_semaphore(%run_scoped3A : memref<!tpu.dma_semaphore, #tpu.memory_space<semaphore_mem>>)
        %dma_wait3A = arith.constant 0 : i32
        %dma_wait3A_23 = arith.constant 0 : i32
        %dma_wait3A_24 = tpu.memref_slice %arg4[%add3A_11, %dma_wait3A, %dma_wait3A_23] : memref<4096x4x1024xf32, #tpu.memory_space<hbm>> -> memref<8x4x1024xf32, #tpu.memory_space<hbm>>
        %dma_wait3A_25 = arith.constant 0 : i32
        %dma_wait3A_26 = arith.constant 0 : i32
        %dma_wait3A_27 = tpu.memref_slice %arg4[%add3A_11, %dma_wait3A_25, %dma_wait3A_26] : memref<4096x4x1024xf32, #tpu.memory_space<hbm>> -> memref<8x4x1024xf32, #tpu.memory_space<hbm>>
        tpu.wait_dma2 semaphore(%run_scoped3A : memref<!tpu.dma_semaphore, #tpu.memory_space<semaphore_mem>>) src(%arg5 : memref<8x4x1024xf32, #tpu.memory_space<vmem>>) dst(%dma_wait3A_27 : memref<8x4x1024xf32, #tpu.memory_space<hbm>>)
        tpu.yield
      }) : () -> ()
    }
    %scan3A_7 = arith.constant 16 : i32
    return
  }
}

</mosaic_0001>

<sc_bundles>
// kernel: kernel.3.cloned.1.call-start
scs
__scs_entry_jumppad:
0x0: {  	(pc) =	sbr.rel $0x88, $3  }
0x1: {  	(tag) =	ssettag $0x0;
	lr =	simm.s32 $0x1  }
0x2: {  	[smem:$0x3F9F] =	sst lr;
	_ =	strace $0xD0000000  }
0x3: {  	_ = 	snop  }
0x4: {  	_ = 	snop  }
0x5: {  	_ = 	snop  }
0x6: {  	_ = 	snop  }
0x7: {  	_ = 	snop  }
__scs_overlays_trampoline_lowered:
0x8: {  	[smem:$0x3FAE] =	sst s0  }
0x9: {  	[smem:$0x3FAF] =	sst s1  }
0xa: {  	[smem:$0x3FB0] =	sst s2  }
0xb: {  	[smem:$0x3FB1] =	sst s3  }
0xc: {  	[smem:$0x3FB2] =	sst s4  }
0xd: {  	[smem:$0x3FB3] =	sst s5  }
0xe: {  	[smem:$0x3FB4] =	sst s6  }
0xf: {  	[smem:$0x3FB5] =	sst s7  }
0x10: {  	[smem:$0x3FB6] =	sst s8  }
0x11: {  	[smem:$0x3FB7] =	sst s9;
	s0 =	simm.s32 @!p0 $0x0  }
0x12: {  	s1 =	sld [smem:$0x3F9D];
	s0 =	simm.s32 @p0 $0x1  }
0x13: {  	[smem:$0x3FB8] =	sst s0;
	s0 =	simm.s32 @!p1 $0x0  }
0x14: {  	s2 =	sld [smem:$0x3F9C];
	s0 =	simm.s32 @p1 $0x1  }
0x15: {  	[smem:$0x3FB9] =	sst s0;
	s0 =	simm.s32 @!p2 $0x0  }
0x16: {  	s3 =	sld [smem:$0x3FDB];
	s0 =	simm.s32 @p2 $0x1  }
0x17: {  	s4 =	simm.s32 $0x1BF5;
	[smem:$0x3FBB] =	sst s0  }
0x18: {  	s0 =	sld [smem:$0x3F9E];
	_ =	swait.ge [sflag:s4], $0x0  }
0x19: {  	s7 =	sld [smem:$0x3F9F]  }
0x1a: {  	s8 =	sadd.s32 $0xFFFFE003, lr  }
0x1b: {  	s9 =	sadd.s32 $0xFFFFFEF7, lr;
	s5 =	simm.s32 $0xFFFFFFFF;
	p2 =	slt.u32 s8, $0xFFFFF086  }
0x1c: {  	p1 =	slt.u32 s9, $0xF7A;
	s5 =	simm.s32 @!p2 $0x0  }
0x1d: {  	s5 =	simm.s32 @p1 $0x1;
	p0 =	seq.s32 s7, s2  }
0x1e: {  	s7 =	smul.u32 @!p0 $0xF7A, s2;
	p2 =	seq.s32 @!p0 s5, $0x0  }
0x1f: {  	s9 =	smul.u32 $0xF7A, s1;
	s8 =	simm.s32 @!p0 $0x1BF5;
	p2 =	por !p2, p0  }
0x20: {  	[sflag:s8] =	ssyncset.s32 @!p0 $0xFFFFF086;
	s6 =	sadd.s32 @!p0 s3, s7;
	s7 =	simm.s32 @!p0 $0x108  }
0x21: {  	s3 =	sadd.s32 s3, s9;
	s6 =	sadd.s32 @!p0 $0x88, s6;
	s7 =	simm.s32 @p2 $0x1082  }
0x22: {  	[simem:s7], [sflag:s8] =	dma.local @!p0 [hbm:s6], $0xF7A  }
0x23: {  	s9 =	sor.u32 $0xD0000000, s2;
	s6 =	simm.s32 $0x108;
	_ =	swait.ge @!p0 [sflag:s8], $0x0  }
0x24: {  	s3 =	sadd.s32 $0x88, s3;
	s6 =	simm.s32 @!p1 $0x1082;
	[sflag:s4] =	ssyncset.s32 $0xFFFFF086  }
0x25: {  	[simem:s6], [sflag:s4] =	dma.local [hbm:s3], $0xF7A  }
0x26: {  	[smem:$0x3F9F] =	sst s1;
	(tag) =	ssettag s2;
	_ =	strace s9  }
0x27: {  	s1 =	sld [smem:$0x3FAF]  }
0x28: {  	s2 =	sld [smem:$0x3FB0]  }
0x29: {  	s4 =	sld [smem:$0x3FB2]  }
0x2a: {  	p0 =	seq.s32 s5, $0x0;
	s5 =	sld [smem:$0x3FB3]  }
0x2b: {  	s6 =	sld [smem:$0x3FB4]  }
0x2c: {  	s7 =	sld [smem:$0x3FB5]  }
0x2d: {  	s3 =	simm.s32 $0x108;
	s8 =	sld [smem:$0x3FB6]  }
0x2e: {  	s3 =	simm.s32 @!p0 $0x1082;
	s9 =	sld [smem:$0x3FB7]  }
0x2f: {  	lr =	sadd.s32 s0, s3;
	s0 =	sld [smem:$0x3FAE]  }
0x30: {  	s3 =	sld [smem:$0x3FB1]  }
0x31: {  	[smem:$0x3FBA] =	sst s10  }
0x32: {  	s10 =	sld [smem:$0x3FB8];
	_ =	sdelay $0x3  }
0x33: {  	p0 =	seq.s32 s10, $0x1;
	s10 =	sld [smem:$0x3FBA];
	_ =	sdelay $0x3  }
0x34: {  	[smem:$0x3FBA] =	sst s10  }
0x35: {  	s10 =	sld [smem:$0x3FB9];
	_ =	sdelay $0x3  }
0x36: {  	p1 =	seq.s32 s10, $0x1;
	s10 =	sld [smem:$0x3FBA];
	_ =	sdelay $0x3  }
0x37: {  	[smem:$0x3FBA] =	sst s10  }
0x38: {  	s10 =	sld [smem:$0x3FBB]  }
0x39: {  	_ = 	snop;
	(pc) =	sbr.ind lr, $3  }
0x3a: {  	_ = 	snop  }
0x3b: {  	_ = 	snop  }
0x3c: {  	p2 =	seq.s32 s10, $0x1;
	s10 =	sld [smem:$0x3FBA]  }
0x3d: {  	_ =	shalt  }
0x3e: {  	_ =	shalt  }
0x3f: {  	_ =	shalt  }
0x40: {  	_ =	shalt  }
0x41: {  	_ =	shalt  }
0x42: {  	_ =	shalt  }
0x43: {  	_ =	shalt  }
0x44: {  	_ =	shalt  }
0x45: {  	_ =	shalt  }
0x46: {  	_ =	shalt  }
0x47: {  	_ =	shalt  }
0x48: {  	_ =	shalt  }
0x49: {  	_ =	shalt  }
0x4a: {  	_ =	shalt  }
0x4b: {  	_ =	shalt  }
0x4c: {  	_ =	shalt  }
0x4d: {  	_ =	shalt  }
0x4e: {  	_ =	shalt  }
0x4f: {  	_ =	shalt  }
0x50: {  	_ =	shalt  }
0x51: {  	_ =	shalt  }
0x52: {  	_ =	shalt  }
0x53: {  	_ =	shalt  }
0x54: {  	_ =	shalt  }
0x55: {  	_ =	shalt  }
0x56: {  	_ =	shalt  }
0x57: {  	_ =	shalt  }
0x58: {  	_ =	shalt  }
0x59: {  	_ =	shalt  }
0x5a: {  	_ =	shalt  }
0x5b: {  	_ =	shalt  }
0x5c: {  	_ =	shalt  }
0x5d: {  	_ =	shalt  }
0x5e: {  	_ =	shalt  }
0x5f: {  	_ =	shalt  }
0x60: {  	_ =	shalt  }
0x61: {  	_ =	shalt  }
0x62: {  	_ =	shalt  }
0x63: {  	_ =	shalt  }
0x64: {  	_ =	shalt  }
0x65: {  	_ =	shalt  }
0x66: {  	_ =	shalt  }
0x67: {  	_ =	shalt  }
0x68: {  	_ =	shalt  }
0x69: {  	_ =	shalt  }
0x6a: {  	_ =	shalt  }
0x6b: {  	_ =	shalt  }
0x6c: {  	_ =	shalt  }
0x6d: {  	_ =	shalt  }
0x6e: {  	_ =	shalt  }
0x6f: {  	_ =	shalt  }
0x70: {  	_ =	shalt  }
0x71: {  	_ =	shalt  }
0x72: {  	_ =	shalt  }
0x73: {  	_ =	shalt  }
0x74: {  	_ =	shalt  }
0x75: {  	_ =	shalt  }
0x76: {  	_ =	shalt  }
0x77: {  	_ =	shalt  }
0x78: {  	_ =	shalt  }
0x79: {  	_ =	shalt  }
0x7a: {  	_ =	shalt  }
0x7b: {  	_ =	shalt  }
0x7c: {  	_ =	shalt  }
0x7d: {  	_ =	shalt  }
0x7e: {  	_ =	shalt  }
0x7f: {  	_ =	shalt  }
0x80: {  	_ =	shalt  }
0x81: {  	_ =	shalt  }
0x82: {  	_ =	shalt  }
0x83: {  	_ =	shalt  }
0x84: {  	_ =	shalt  }
0x85: {  	_ =	shalt  }
0x86: {  	_ =	shalt  }
0x87: {  	_ =	shalt  }
.Lfunc_end0:
.L_simem_size_0:
called_computation_lowered:
.L_overlay_start_0:
0x88: {  	s2 =	sld [smem:$0x3FD9]  }
0x89: {  	s3 =	sld [smem:$0x3FFE];
	_ =	sdelay $0x1  }
0x8a: {  	s1 =	srdreg.scid  }
0x8b: {  	s0 =	sand.u32 $0x1, s1  }
0x8c: {  	s18 =	sshll.u32 s0, $0xA;
	s2 =	sadd.s32 s3, s2  }
0x8d: {  	s2 =	sadd.s32 s2, s18  }
0x8e: {  	[smem:$0x3FC6] =	sst s2  }
0x8f: {  	_ = 	snop  }
0x90: {  	s2 =	sld [smem:$0x3FC9]  }
0x91: {  	s19 =	sld [smem:$0x3FC8]  }
0x92: {  	s4 =	sld [smem:$0x3FD0];
	(tm) =	ssettm $0x1  }
0x93: {  	s5 =	sld [smem:$0x3FFB];
	_ =	sdelay $0x3  }
0x94: {  	_ =	strace s5  }
0x95: {  	s5 =	sld [smem:$0x3FFC];
	_ =	sdelay $0x3  }
0x96: {  	_ =	strace s5  }
0x97: {  	s5 =	sld [smem:$0x3FFD];
	_ =	sdelay $0x3  }
0x98: {  	_ =	strace s5  }
0x99: {  	_ =	strace $0x8FFFFFFF  }
0x9a: {  	s20 =	sld [smem:$0x3FDB];
	_ =	sdelay $0x1  }
0x9b: {  	s6 =	simm.s32 $_scs_section_size  }
0x9c: {  	s7 =	simm.s32 $_size__tile_overlayer_lowered;
	s8 =	simm.s32 $_tile_overlayer_lowered  }
0x9d: {  	s23 =	simm.s32 $0x1BFF;
	s22 =	sshll.u32 s8, $0x1;
	s5 =	sadd.s32 s6, s20  }
0x9e: {  	s9 =	simm.s32 $0x0;
	s21 =	sshll.u32 s7, $0x1;
	s7 =	sadd.s32 s22, s5  }
0x9f: {  	[timem:s9], [sflag:s23] =	dma.local [hbm:s7], s21  }
0xa0: {  	_ =	swait.ge [sflag:s23], s21  }
0xa1: {  	s6 =	ssub.s32 $0x0, s21;
	[sflag:s23] =	ssyncset.done $0x0  }
0xa2: {  	[sflag:s23] =	ssyncadd.s32 s6;
	_ =	sdelay $0x1  }
0xa3: {  	s24 =	simm.s32 $0x1B8B  }
0xa4: {  	_ =	swait.ge [sflag:s24], $0x1  }
0xa5: {  	[sflag:s24] =	ssyncset.done $0x0  }
0xa6: {  	s25 =	simm.s32 $0x1B8E;
	[sflag:s24] =	ssyncadd.s32 $0xFFFFFFFF  }
0xa7: {  	s26 =	simm.s32 $execute0_lowered;
	[smem:$0x3FD2] =	sst s25  }
0xa8: {  	s6 =	sshll.u32 s26, $0x1;
	_ =	strace $0x80000046;
	[dreg:$0x1] =	wrdreg $0xFFFFFFFF  }
0xa9: {  	s28 =	simm.s32 $_size_execute0_lowered;
	s5 =	sadd.s32 s5, s6;
	[dreg:$0x0] =	wrdreg $0x0  }
0xaa: {  	s6 =	sshll.u32 s28, $0x1;
	[dreg:$0x2] =	wrdreg s5  }
0xab: {  	[dreg:$0x3] =	wrdreg s6  }
0xac: {  	[dreg:$0x4] =	wrdreg $0xC0  }
0xad: {  	_ =	task [dreg:s9], $0x5FFFF  }
0xae: {  	[dreg:$0x1] =	wrdreg $0xFFFFFFFF  }
0xaf: {  	[dreg:$0x0] =	wrdreg $0x60  }
0xb0: {  	[dreg:$0x2] =	wrdreg s2  }
0xb1: {  	[dreg:$0x3] =	wrdreg s19  }
0xb2: {  	[dreg:$0x4] =	wrdreg s4  }
0xb3: {  	[dreg:$0x5] =	wrdreg $0x9  }
0xb4: {  	_ =	task.clear_ibuf [dreg:s9], $0x6FFFF;
	_ =	strace $0x90000046  }
0xb5: {  	s29 =	simm.s32 $0x9;
	_ =	strace $0x80000048  }
0xb6: {  	_ =	swait.ge [sflag:s29], $0x1  }
0xb7: {  	[sflag:s29] =	ssyncadd.s32 $0xFFFFFFFF  }
0xb8: {  	_ =	strace $0x90000048  }
0xb9: {  	_ =	sfence  }
0xba: {  	s30 =	sld [smem:$0x0];
	_ =	sdelay $0x2  }
0xbb: {  	s31 =	sshll.u32 s1, $0xD;
	s1 =	sshrl.u32 s1, $0x2  }
0xbc: {  	s3 =	sand.u32 $0x4000, s31;
	s1 =	sadd.s32 s1, s30  }
0xbd: {  	s0 =	sor.u32 s3, s0;
	s1 =	sshll.u32 s1, $0x11  }
0xbe: {  	s0 =	sor.u32 s1, s0  }
0xbf: {  	s0 =	sadd.s32 $0x8F2B, s0  }
0xc0: {  	[sflag:s0] =	ssyncadd.remote.s32 $0x1  }
0xc1: {  	_ =	sfence.sel $0xFFFF  }
0xc2: {  	[dreg:$0x0] =	wrdreg $0xFFFFFFFF;
	(pc) =	sbr.abs _section_cstart, $3  }
0xc3: {  	[dreg:$0x1] =	wrdreg $0xFFFFFFFF  }
0xc4: {  	_ =	task.clear_ibuf [dreg:s9], $0x2FFFF;
	_ =	strace $0x9FFFFFFF  }
0xc5: {  	(tm) =	ssettm $0x7FFFFFFF  }
tec
execute0_lowered:
.L_overlay_start_1:
0x0: {  	(tag) =	ssettag $0x1  }
0x1: {  	s1 =	rddreg [dreg:$0x0]  }
0x2: {  	s2 =	rddreg [dreg:$0x1]  }
0x3: {  	s0 =	srdreg.scid;
	s3 =	rddreg [dreg:$0x2];
	s5 =	simm.s32 $0x0  }
0x4: {  	s4 =	stileid.u32;
	s9 =	simm.s32 $0x8000;
	s6 =	sand.u32 $0x1, s0  }
0x5: {  	s10 =	simm.s32 $0x0;
	s0 =	rddreg [dreg:$0x3];
	s7 =	ssub.s32 $0x2, s6  }
0x6: {  	[smem:$0x7FF] =	sst s5;
	s31 =	sshll.u32 s4, $0x8;
	s8 =	sshrl.u32 s7, $0x1  }
0x7: {  	s6 =	sshll.u32 s6, $0x7;
	_ =	strace $0x80000047;
	s7 =	ssub.s32 s7, s8  }
0x8: {  	s6 =	sor.u32 s6, s31;
	s8 =	simm.s32 $0x1;
	s7 =	smax.u32 s7, $0x1  }
.LBB2_1:
0x9: {  	s11 =	simm.s32 $0x0  }
.LBB2_2:
0xa: {  	s12 =	sshll.u32 s11, $0x3  }
0xb: {  	s13 =	sadd.s32 s6, s12  }
0xc: {  	s12 =	sshll.u32 s13, $0x9  }
0xd: {  	s15 =	simm.s32 $0x0;
	s14 =	sadd.s32 s1, s12  }
0xe: {  	[tilespmem:s15], [sflag:$0x1] =	stream.linear.gather [hbm4b:s14+s15], $0x8000, $0x38;
	[tilespmem:$0xA000] =	vst v63  }
0xf: {  	s28 =	simm.s32 $0x0;
	_ =	swait.ge [sflag:s8], $0x8000  }
0x10: {  	s30 =	simm.s32 $0x0;
	s13 =	sshll.u32 s13, $0x7;
	[sflag:s8] =	ssyncset.done $0x0  }
0x11: {  	s29 =	sand.u32 $0x7, s28;
	s13 =	sadd.s32 s2, s13;
	[sflag:s8] =	ssyncadd.s32 $0xFFFF8000  }
0x12: {  	[tilespmem:s9], [sflag:$0x1] =	stream.linear.gather [hbm4b:s13+s15], $0x2000, $0x38;
	[tilespmem:$0xA000] =	vst v63  }
0x13: {  	s16 =	sshll.u32 s29, $0x9;
	s13 =	sand.u32 $0x3FFFF000, s30;
	_ =	swait.ge [sflag:s8], $0x2000  }
0x14: {  	s15 =	sand.u32 $0x70, s15;
	s13 =	sor.u32 s16, s13;
	[sflag:s8] =	ssyncset.done $0x0  }
0x15: {  	s31 =	simm.s32 $0x0;
	s13 =	sor.u32 s15, s13;
	[sflag:s8] =	ssyncadd.s32 $0xFFFFE000  }
0x16: {  	s14 =	sshll.u32 s29, $0xA;
	s16 =	sand.u32 $0x3FFFFF80, s31;
	v2 =	vld [tilespmem:s13+$0x0]  }
0x17: {  	s14 =	sadd.s32 s16, s14;
	v3 =	vld [tilespmem:s13+$0x100]  }
0x18: {  	s14 =	sor.u32 s15, s14;
	v0 =	vld [tilespmem:s13+$0x180]  }
0x19: {  	s17 =	simm.s32 $0x0;
	v1 =	vld [tilespmem:s14+$0x8000]  }
0x1a: {  	s16 =	simm.s32 $0x2;
	s15 =	simm.s32 $0x1;
	v4 =	vld [tilespmem:s13+$0x80];
	s14 =	simm.s32 $0x10  }
.LBB2_3:
0x1b: {  	s17 =	sand.u32 $0x7, s17  }
0x1c: {  	s18 =	sshll.u32 s15, $0x1;
	s19 =	sshll.u32 s15, $0x6;
	s15 =	smov.u32 s16  }
0x1d: {  	s20 =	sshll.u32 s17, $0xA;
	s18 =	sand.u32 $0x3FFFFF80, s18;
	s17 =	sshll.u32 s17, $0x9  }
0x1e: {  	s21 =	sand.u32 $0x70, s14;
	s19 =	sand.u32 $0x3FFFF000, s19;
	s18 =	sadd.s32 s18, s20  }
0x1f: {  	s20 =	sadd.s32 $0x1, s16;
	s17 =	sor.u32 s17, s19;
	s18 =	sor.u32 s21, s18;
	v2 =	vadd.f32 v2, v1;
	v3 =	vadd.f32 v3, v1  }
0x20: {  	p0 =	sne.s32 s16, $0x1FF;
	s16 =	sor.u32 s21, s17;
	v0 =	vadd.f32 v0, v1;
	v4 =	vadd.f32 v4, v1  }
0x21: {  	[tilespmem:s13+$0x0] =	vst v2  }
.Ltmp0:
0x22: {  	v2 =	vld [tilespmem:s16+$0x0];
	[tilespmem:s13+$0x100] =	vst v3;
	(pc) =	sbr.rel @p0 .LBB2_3-.Ltmp0, $4  }
0x23: {  	v3 =	vld [tilespmem:s16+$0x100];
	[tilespmem:s13+$0x180] =	vst v0  }
0x24: {  	v0 =	vld [tilespmem:s16+$0x180];
	[tilespmem:s13+$0x80] =	vst v4;
	s13 =	smov.u32 s16  }
0x25: {  	v1 =	vld [tilespmem:s18+$0x8000]  }
0x26: {  	s14 =	sadd.s32 $0x10, s14;
	s17 =	sshrl.u32 s15, $0x3;
	s16 =	smov.u32 s20;
	v4 =	vld [tilespmem:s13+$0x80]  }
0x27: {  	_ =	sdelay $0x2  }
0x28: {  	v2 =	vadd.f32 v2, v1  }
0x29: {  	s16 =	sand.u32 $0x7, s17;
	s29 =	sshll.u32 s15, $0x1;
	s30 =	sshll.u32 s15, $0x6;
	v3 =	vadd.f32 v3, v1  }
0x2a: {  	s18 =	sshll.u32 s16, $0xA;
	s16 =	sshll.u32 s16, $0x9;
	s15 =	sand.u32 $0x3FFFF000, s30;
	v0 =	vadd.f32 v0, v1;
	[tilespmem:s13+$0x0] =	vst v2  }
0x2b: {  	s14 =	sand.u32 $0x70, s14;
	s17 =	sand.u32 $0x3FFFFF80, s29;
	s15 =	sor.u32 s16, s15;
	v58 =	vadd.f32 v4, v1;
	[tilespmem:s13+$0x100] =	vst v3  }
0x2c: {  	s31 =	sadd.s32 s17, s18;
	s15 =	sor.u32 s14, s15;
	[tilespmem:s13+$0x180] =	vst v0  }
0x2d: {  	s14 =	sor.u32 s14, s31;
	v59 =	vld [tilespmem:s15+$0x0];
	[tilespmem:s13+$0x80] =	vst v58  }
0x2e: {  	v1 =	vld [tilespmem:s14+$0x8000]  }
0x2f: {  	v60 =	vld [tilespmem:s15+$0x100]  }
0x30: {  	v61 =	vld [tilespmem:s15+$0x180]  }
0x31: {  	v62 =	vld [tilespmem:s15+$0x80];
	_ =	sdelay $0x1  }
0x32: {  	v0 =	vadd.f32 v59, v1  }
0x33: {  	v2 =	vadd.f32 v60, v1  }
0x34: {  	v3 =	vadd.f32 v61, v1;
	[tilespmem:s15+$0x0] =	vst v0  }
0x35: {  	s11 =	sadd.s32 $0x1, s11;
	v63 =	vadd.f32 v62, v1;
	[tilespmem:s15+$0x100] =	vst v2  }
0x36: {  	p0 =	sne.s32 s11, $0x10;
	[tilespmem:s15+$0x180] =	vst v3  }
.Ltmp1:
0x37: {  	s12 =	sadd.s32 s3, s12;
	[tilespmem:s15+$0x80] =	vst v63;
	(pc) =	sbr.rel @p0 .LBB2_2-.Ltmp1, $4  }
0x38: {  	[hbm4b:s12+s5] =	stream.linear.scatter [tilespmem:s5], [sflag:$0x1], $0x8000, $0x38;
	[tilespmem:$0xA000] =	vst v63  }
0x39: {  	_ =	swait.ge [sflag:s8], $0x8000  }
0x3a: {  	[sflag:s8] =	ssyncset.done $0x0  }
0x3b: {  	[sflag:s8] =	ssyncadd.s32 $0xFFFF8000  }
0x3c: {  	s10 =	sadd.s32 $0x1, s10  }
0x3d: {  	p0 =	sne.s32 s10, s7  }
.Ltmp2:
0x3e: {  	_ = 	snop;
	(pc) =	sbr.rel @p0 .LBB2_1-.Ltmp2, $1  }
0x3f: {  	_ =	sdelay $0x3  }
0x40: {  	_ =	sfence.sel $0x180000  }
0x41: {  	[bflag:$0x0] =	sbarrier.arrive $0xFFFF  }
0x42: {  	p0 =	sne.s32 s4, $0x0;
	_ =	strace $0x90000047  }
0x43: {  	s0 =	sadd.s32 @!p0 $0x100000, s0;
	[bflag:$0x2] =	sbarrier.arrive $0xFFFF  }
0x44: {  	[sflag:s0] =	ssyncadd.tile.s32 @!p0 $0x1;
	_ =	shalt  }
.Lfunc_end2:
_tile_overlayer_lowered:
.L_overlay_start_2:
0x45: {  	(tag) =	ssettag $0x2  }
0x46: {  	s0 =	rddreg [dreg:$0x0];
	s2 =	stileid.u32  }
0x47: {  	s1 =	rddreg [dreg:$0x1];
	p0 =	sne.s32 s2, $0x0  }
0x48: {  	s3 =	rddreg [dreg:$0x2];
	[bflag:$0x3] =	sbarrier.arrive $0xFFFF;
	s2 =	simm.s32 @!p0 $0x1C01  }
0x49: {  	[timem:s3], [sflag:s2] =	dma.local @!p0 [hbm:s0], s1  }
0x4a: {  	s0 =	simm.s32 @!p0 $0x1  }
0x4b: {  	_ =	swait.ge @!p0 [sflag:s0], s1  }
0x4c: {  	s1 =	ssub.s32 @!p0 $0x0, s1;
	[sflag:s0] =	ssyncset.done @!p0 $0x0  }
0x4d: {  	[sflag:s0] =	ssyncadd.s32 @!p0 s1  }
0x4e: {  	[bflag:$0x3] =	sbarrier.arrive $0xFFFF  }
0x4f: {  	_ =	shalt  }

</sc_bundles>
